<compile_context>
chip_gen: v7x
topology: tpu7x:2x2x1
jax: 0.10.2.dev20260603
libtpu: 0.0.44.dev20260713+nightly
codegen_flags: <defaults>
</compile_context>

<pallas_src>
import functools

import jax
import jax.numpy as jnp
from jax import lax
from jax.experimental import pallas as pl
from jax.experimental.pallas import tpu as pltpu
from jax.experimental.pallas import tpu_sc as plsc

HIDDEN = 128
BROKEN_DIM = 13
F32 = jnp.float32


def _root_body(fp0_ref, fp1_ref, wr0_ref, wr1_ref, br_ref, wa_ref, wb_ref,
               wm0t_ref, bm0_ref, win_ref, wg0_ref, bin_ref, bg0_ref,
               out_ref, wing0_ref, bing0_ref, wdb_ref):
    @pl.when(pl.program_id(0) == 0)
    def _prep():
        wing0_ref[...] = jnp.dot(win_ref[...], wg0_ref[...],
                                 preferred_element_type=F32, precision=jax.lax.Precision.DEFAULT)
        bing0_ref[...] = jnp.dot(bin_ref[...], wg0_ref[...],
                                 preferred_element_type=F32, precision=jax.lax.Precision.DEFAULT) + bg0_ref[...]
        wdb_ref[...] = wm0t_ref[...][:wdb_ref.shape[0]] + bm0_ref[...]

    e = jnp.dot(fp0_ref[...], wr0_ref[...], preferred_element_type=F32, precision=jax.lax.Precision.DEFAULT)
    e = e + jnp.dot(fp1_ref[...], wr1_ref[...], preferred_element_type=F32, precision=jax.lax.Precision.DEFAULT)
    e = jnp.maximum(e + br_ref[...], 0.0)
    out_ref[...] = jnp.dot(e, wa_ref[...] + wb_ref[...],
                           preferred_element_type=F32, precision=jax.lax.Precision.DEFAULT)


def _root_term(root_fp, W_root, b_root, W_m0, b_m0, W_in, W_g0, b_in, b_g0):
    n_roots, fp_dim = root_fp.shape
    rb = n_roots
    for cand in (400, 200, 100, 40, 8):
        if n_roots % cand == 0:
            rb = cand
            break
    grid = n_roots // rb
    h_spec = pl.BlockSpec((HIDDEN, HIDDEN), lambda i: (0, 0))
    v_spec = pl.BlockSpec((1, HIDDEN), lambda i: (0, 0))
    return pl.pallas_call(
        _root_body,
        grid=(grid,),
        in_specs=[
            pl.BlockSpec((rb, fp_dim // 2), lambda i: (i, 0)),
            pl.BlockSpec((rb, fp_dim // 2), lambda i: (i, 1)),
            pl.BlockSpec((fp_dim // 2, HIDDEN), lambda i: (0, 0)),
            pl.BlockSpec((fp_dim // 2, HIDDEN), lambda i: (1, 0)),
            v_spec,
            pl.BlockSpec((HIDDEN, HIDDEN), lambda i: (0, 0)),
            pl.BlockSpec((HIDDEN, HIDDEN), lambda i: (1, 0)),
            pl.BlockSpec((HIDDEN, HIDDEN), lambda i: (3, 0)),
            v_spec,
            h_spec, h_spec, v_spec, v_spec,
        ],
        out_specs=[
            pl.BlockSpec((rb, HIDDEN), lambda i: (i, 0)),
            pl.BlockSpec((HIDDEN, HIDDEN), lambda i: (0, 0)),
            pl.BlockSpec((1, HIDDEN), lambda i: (0, 0)),
            pl.BlockSpec((BROKEN_DIM, HIDDEN), lambda i: (0, 0)),
        ],
        out_shape=[
            jax.ShapeDtypeStruct((n_roots, HIDDEN), F32),
            jax.ShapeDtypeStruct((HIDDEN, HIDDEN), F32),
            jax.ShapeDtypeStruct((1, HIDDEN), F32),
            jax.ShapeDtypeStruct((BROKEN_DIM, HIDDEN), F32),
        ],
    )(root_fp, root_fp, W_root, W_root, b_root.reshape(1, HIDDEN), W_m0, W_m0,
      W_m0, b_m0.reshape(1, HIDDEN),
      W_in, W_g0, b_in.reshape(1, HIDDEN), b_g0.reshape(1, HIDDEN))


def _sc_bpw(b, nw):
    bpw = -(-b // nw)
    while bpw <= b:
        if bpw % 8 == 0 and b % bpw == 0:
            return bpw
        bpw += 1
    return b


def _sc_gather(root_term, wdb, ind, brk):
    info = plsc.get_sparse_core_info()
    nc, ns = info.num_cores, info.num_subcores
    nw = nc * ns
    b = ind.shape[0]
    bpw = _sc_bpw(b, nw)
    n_active = b // bpw

    mesh = plsc.VectorSubcoreMesh(core_axis_name="c", subcore_axis_name="s")

    @functools.partial(
        pl.kernel,
        mesh=mesh,
        out_type=jax.ShapeDtypeStruct((b, HIDDEN), F32),
        scratch_types=[
            pltpu.VMEM((bpw,), jnp.int32),
            pltpu.VMEM((bpw,), jnp.int32),
            pltpu.VMEM((bpw, HIDDEN), F32),
            pltpu.SemaphoreType.DMA,
            pltpu.SemaphoreType.DMA,
            pltpu.SemaphoreType.DMA,
        ],
    )
    def k(rt_hbm, wdb_hbm, ind_hbm, brk_hbm, eb_hbm,
          idx_v, brk_v, rows_v, sem_a, sem_b, sem_c):
        wid = lax.axis_index("s") * nc + lax.axis_index("c")

        @pl.when(wid < n_active)
        def _work():
            base = wid * bpw
            ci = pltpu.async_copy(ind_hbm.at[pl.ds(base, bpw)], idx_v, sem_c)
            ck = pltpu.async_copy(brk_hbm.at[pl.ds(base, bpw)], brk_v, sem_b)
            ci.wait()
            ca = pltpu.async_copy(rt_hbm.at[idx_v], rows_v, sem_a)
            ck.wait()
            ca.wait()
            cb = pltpu.async_copy(wdb_hbm.at[brk_v], rows_v, sem_b, add=True)
            cb.wait()
            pltpu.async_copy(rows_v, eb_hbm.at[pl.ds(base, bpw)], sem_c).wait()

    return k(root_term, wdb, ind, brk)


def _node_body(x_ref, eb_ref, scale_ref,
               wg0_ref, bg0_ref, wg1_ref, bg1_ref,
               wb_ref, wc_ref, wm1_ref, bm1_ref, wo_ref, bo_ref, out_ref,
               pool_ref, rep_ref, mask_ref):
    fb, na = out_ref.shape
    rows = fb * na

    @pl.when(pl.program_id(0) == 0)
    def _init():
        frag_row = lax.broadcasted_iota(jnp.int32, (fb, rows), 1) // na
        fid = lax.broadcasted_iota(jnp.int32, (fb, rows), 0)
        pool_ref[...] = (frag_row == fid).astype(F32)
        frag_col = lax.broadcasted_iota(jnp.int32, (rows, fb), 0) // na
        fid2 = lax.broadcasted_iota(jnp.int32, (rows, fb), 1)
        rep_ref[...] = (frag_col == fid2).astype(F32)
        atom_row = lax.broadcasted_iota(jnp.int32, (rows, na), 0) % na
        aid = lax.broadcasted_iota(jnp.int32, (rows, na), 1)
        mask_ref[...] = (atom_row == aid).astype(F32)

    t = jnp.dot(x_ref[...], wg0_ref[...], preferred_element_type=F32, precision=jax.lax.Precision.DEFAULT) + bg0_ref[...]
    t = jnp.maximum(t, 0.0)
    t = jnp.dot(t, wg1_ref[...], preferred_element_type=F32, precision=jax.lax.Precision.DEFAULT) + bg1_ref[...]
    t = jnp.maximum(t, 0.0)

    hc = jnp.dot(t, wc_ref[...], preferred_element_type=F32, precision=jax.lax.Precision.DEFAULT)

    avg = jnp.dot(pool_ref[...], t, preferred_element_type=F32, precision=jax.lax.Precision.DEFAULT) * scale_ref[0, 0]

    r0 = eb_ref[...] - jnp.dot(
        avg, wb_ref[...], preferred_element_type=F32, precision=jax.lax.Precision.DEFAULT)

    rep = jnp.dot(rep_ref[...], r0, preferred_element_type=F32, precision=jax.lax.Precision.DEFAULT)

    h = jnp.maximum(hc + rep, 0.0)
    h = jnp.dot(h, wm1_ref[...], preferred_element_type=F32, precision=jax.lax.Precision.DEFAULT) + bm1_ref[...]
    h = jnp.maximum(h, 0.0)
    red = jnp.sum(h * wo_ref[...], axis=1, keepdims=True) + bo_ref[0, 0]
    g2 = mask_ref[...] * red
    out2 = jnp.dot(pool_ref[...], g2, preferred_element_type=F32, precision=jax.lax.Precision.DEFAULT)
    out_ref[...] = 1.0 / (1.0 + jnp.exp(-out2))


def _node_pipeline(node_h, eb_term, scale, b,
                   W_ing0, b_ing0, W_g1, b_g1,
                   W_m0, W_m1, b_m1, wo_col, bo_11):
    n = node_h.shape[0]
    na = n // b
    fb = b
    for cand in (40, 8):
        if b % cand == 0 and (cand * na) % 8 == 0:
            fb = cand
            break
    rows = fb * na
    grid = b // fb

    h128 = HIDDEN
    w_spec = pl.BlockSpec((h128, h128), lambda i: (0, 0))
    b_spec = pl.BlockSpec((1, h128), lambda i: (0, 0))
    return pl.pallas_call(
        _node_body,
        grid=(grid,),
        in_specs=[
            pl.BlockSpec((rows, h128), lambda i: (i, 0)),
            pl.BlockSpec((fb, h128), lambda i: (i, 0)),
            pl.BlockSpec((1, 1), lambda i: (0, 0)),
            w_spec, b_spec, w_spec, b_spec,
            pl.BlockSpec((h128, h128), lambda i: (1, 0)),
            pl.BlockSpec((h128, h128), lambda i: (2, 0)),
            w_spec, b_spec, b_spec,
            pl.BlockSpec((1, 1), lambda i: (0, 0)),
        ],
        out_specs=pl.BlockSpec((fb, na), lambda i: (i, 0)),
        out_shape=jax.ShapeDtypeStruct((b, na), F32),
        scratch_shapes=[
            pltpu.VMEM((fb, rows), F32),
            pltpu.VMEM((rows, fb), F32),
            pltpu.VMEM((rows, na), F32),
        ],
    )(node_h, eb_term, scale,
      W_ing0, b_ing0,
      W_g1, b_g1.reshape(1, h128), W_m0, W_m0, W_m1,
      b_m1.reshape(1, h128), wo_col, bo_11)


def kernel(node_h, root_fp, ind_maps, broken, n_atoms,
           W_root, b_root, W_in, b_in, W_g0, b_g0, W_g1, b_g1,
           W_m0, b_m0, W_m1, b_m1, W_o, b_o):
    b = ind_maps.shape[0]
    na = node_h.shape[0] // b

    root_term, W_ing0, b_ing0, Wdb = _root_term(
        root_fp, W_root, b_root, W_m0, b_m0, W_in, W_g0, b_in, b_g0)

    eb_term = _sc_gather(root_term, Wdb,
                         ind_maps.astype(jnp.int32), broken.astype(jnp.int32))

    scale = (1.0 / jnp.asarray(n_atoms).astype(F32)).reshape(1, 1)
    bo_11 = b_o.reshape(1, 1).astype(F32)

    return _node_pipeline(node_h, eb_term, scale, b,
                          W_ing0, b_ing0, W_g1, b_g1,
                          W_m0, W_m1, wo_col=W_o.reshape(1, HIDDEN),
                          bo_11=bo_11, b_m1=b_m1)

# --- scband reference (transcript-rebuilt; emitter-appended) ---
"""Pipeline reference for scband-frag-gnn-36163624632848 (READ-ONLY COPY).

The authoritative reference and input builder live on the scoring server;
editing this copy changes nothing except your own understanding.
"""

import jax, jax.numpy as jnp
import numpy as np

HIDDEN = 128
NODE_FEATS = 128
FP_DIM = 4096
MAX_BROKEN = 6
BROKEN_DIM = MAX_BROKEN * 2 + 1
MLP_IN = HIDDEN * 3 + BROKEN_DIM


def _lin(k, fi, fo):
    kw, kb = jax.random.split(k)
    W = jax.random.normal(kw, (fi, fo), jnp.float32) / np.sqrt(fi)
    b = jax.random.normal(kb, (fo,), jnp.float32) * 0.01
    return W, b


def setup_inputs(seed: int = 0) -> dict:
    key = jax.random.key(seed)
    ks = jax.random.split(key, 12)
    N, B, n_atoms, n_roots = 100000, 2000, 50, 2000
    inp = {}
    inp['node_h'] = jax.random.normal(ks[0], (N, NODE_FEATS), jnp.float32)
    inp['root_fp'] = jax.random.uniform(ks[1], (n_roots, FP_DIM), jnp.float32)
    inp['ind_maps'] = jax.random.randint(ks[2], (B,), 0, n_roots)
    inp['broken'] = jax.random.randint(ks[3], (B,), 0, BROKEN_DIM)
    inp['n_atoms'] = n_atoms
    inp['W_root'], inp['b_root'] = _lin(ks[4], FP_DIM, HIDDEN)
    inp['W_in'], inp['b_in'] = _lin(ks[5], NODE_FEATS, HIDDEN)
    inp['W_g0'], inp['b_g0'] = _lin(ks[6], HIDDEN, HIDDEN)
    inp['W_g1'], inp['b_g1'] = _lin(ks[7], HIDDEN, HIDDEN)
    inp['W_m0'], inp['b_m0'] = _lin(ks[8], MLP_IN, HIDDEN)
    inp['W_m1'], inp['b_m1'] = _lin(ks[9], HIDDEN, HIDDEN)
    inp['W_o'], inp['b_o'] = _lin(ks[10], HIDDEN, 1)
    return inp


def reference(node_h, root_fp, ind_maps, broken, n_atoms,
              W_root, b_root, W_in, b_in, W_g0, b_g0, W_g1, b_g1,
              W_m0, b_m0, W_m1, b_m1, W_o, b_o):
    na = node_h.shape[0] // ind_maps.shape[0]
    # root_encoder: Linear -> ReLU -> Dropout(eval=identity); root_encode='fp' path
    root_emb = jax.nn.relu(root_fp @ W_root + b_root)
    # gather fragment -> root embedding
    ext_root = jnp.take(root_emb, ind_maps, axis=0)
    ext_root_atoms = jnp.repeat(ext_root, na, axis=0)
    # node_input linear
    frag_h = node_h @ W_in + b_in
    # fallback (no-DGL) GNN layers: relu(Linear(h))
    frag_h = jax.nn.relu(frag_h @ W_g0 + b_g0)
    frag_h = jax.nn.relu(frag_h @ W_g1 + b_g1)
    # mean-pool per fragment (dgl.mean_nodes with fixed fragment size)
    B = ind_maps.shape[0]
    avg_frags = frag_h.reshape(B, na, HIDDEN).sum(axis=1) / jnp.asarray(n_atoms).astype(jnp.float32)
    ext_frag_atoms = jnp.repeat(avg_frags, na, axis=0)
    # broken one-hot (scatter_ overwrite on zeros)
    broken_c = jnp.clip(broken, 0, MAX_BROKEN * 2)
    broken_oh = jax.nn.one_hot(broken_c, BROKEN_DIM, dtype=jnp.float32)
    broken_atoms = jnp.repeat(broken_oh, na, axis=0)
    cat_vec = jnp.concatenate([ext_root_atoms, ext_root_atoms - ext_frag_atoms, frag_h, broken_atoms], axis=-1)
    h = jax.nn.relu(cat_vec @ W_m0 + b_m0)
    h = jax.nn.relu(h @ W_m1 + b_m1)
    out = jax.nn.sigmoid(jnp.squeeze(h @ W_o + b_o, axis=-1))
    # output_padded: all fragments have n_atoms nodes -> simple reshape
    return out.reshape(B, na)

if __name__ == "__main__":
    import jax
    _d = setup_inputs()
    print(jax.jit(kernel)(*tuple(_d.values())))

</pallas_src>

<mosaic_0001>
#map = affine_map<(d0, d1) -> (0, 0)>
#map1 = affine_map<(d0, d1) -> (0)>
module attributes {stable_mosaic.version = 14 : i64} {
  func.func @k(%arg0: i32, %arg1: i32, %arg2: memref<2000x128xf32, #tpu.memory_space<hbm>>, %arg3: memref<13x128xf32, #tpu.memory_space<hbm>>, %arg4: memref<2000xi32, #tpu.memory_space<hbm>>, %arg5: memref<2000xi32, #tpu.memory_space<hbm>>, %arg6: memref<2000x128xf32, #tpu.memory_space<hbm>>, %arg7: memref<80xi32, #tpu.memory_space<vmem>>, %arg8: memref<80xi32, #tpu.memory_space<vmem>>, %arg9: memref<80x128xf32, #tpu.memory_space<vmem>>, %arg10: memref<!tpu.dma_semaphore, #tpu.memory_space<semaphore_mem>>, %arg11: memref<!tpu.dma_semaphore, #tpu.memory_space<semaphore_mem>>, %arg12: memref<!tpu.dma_semaphore, #tpu.memory_space<semaphore_mem>>) attributes {dimension_semantics = [#tpu.dimension_semantics<core_parallel>, #tpu.dimension_semantics<subcore_parallel>], iteration_bounds = array<i64: 2, 16>, scalar_prefetch = 0 : i64, scratch_operands = 6 : i64, tpu.core_type = #tpu.core_type<sc_vector_subcore>, window_params = [{transform_indices = #map}, {transform_indices = #map}, {transform_indices = #map1}, {transform_indices = #map1}, {transform_indices = #map}]} {
    %mul3A = arith.constant 2 : i32
    %mul3A_0 = arith.muli %arg1, %mul3A : i32
    %add3A = arith.addi %mul3A_0, %arg0 : i32
    %lt3A = arith.constant 25 : i32
    %lt3A_1 = arith.cmpi slt, %add3A, %lt3A : i32
    %convert_element_type3A = arith.extui %lt3A_1 : i1 to i32
    %cond3A = arith.constant 0 : i32
    %cond3A_2 = arith.cmpi ne, %convert_element_type3A, %cond3A : i32
    scf.if %cond3A_2 {
      %mul3A_3 = arith.constant 80 : i32
      %mul3A_4 = arith.muli %add3A, %mul3A_3 : i32
      %dma_start3A = tpu.memref_slice %arg4[%mul3A_4] : memref<2000xi32, #tpu.memory_space<hbm>> -> memref<80xi32, #tpu.memory_space<hbm>>
      %dma_start3A_5 = tpu.memref_slice %arg4[%mul3A_4] : memref<2000xi32, #tpu.memory_space<hbm>> -> memref<80xi32, #tpu.memory_space<hbm>>
      tpu.enqueue_dma source(%dma_start3A_5 : memref<80xi32, #tpu.memory_space<hbm>>) target(%arg7 : memref<80xi32, #tpu.memory_space<vmem>>) target_semaphore(%arg12 : memref<!tpu.dma_semaphore, #tpu.memory_space<semaphore_mem>>)
      %dma_start3A_6 = tpu.memref_slice %arg5[%mul3A_4] : memref<2000xi32, #tpu.memory_space<hbm>> -> memref<80xi32, #tpu.memory_space<hbm>>
      %dma_start3A_7 = tpu.memref_slice %arg5[%mul3A_4] : memref<2000xi32, #tpu.memory_space<hbm>> -> memref<80xi32, #tpu.memory_space<hbm>>
      tpu.enqueue_dma source(%dma_start3A_7 : memref<80xi32, #tpu.memory_space<hbm>>) target(%arg8 : memref<80xi32, #tpu.memory_space<vmem>>) target_semaphore(%arg11 : memref<!tpu.dma_semaphore, #tpu.memory_space<semaphore_mem>>)
      %dma_wait3A = tpu.memref_slice %arg4[%mul3A_4] : memref<2000xi32, #tpu.memory_space<hbm>> -> memref<80xi32, #tpu.memory_space<hbm>>
      %dma_wait3A_8 = tpu.memref_slice %arg4[%mul3A_4] : memref<2000xi32, #tpu.memory_space<hbm>> -> memref<80xi32, #tpu.memory_space<hbm>>
      tpu.wait_dma2 semaphore(%arg12 : memref<!tpu.dma_semaphore, #tpu.memory_space<semaphore_mem>>) src(%dma_wait3A_8 : memref<80xi32, #tpu.memory_space<hbm>>) dst(%arg7 : memref<80xi32, #tpu.memory_space<vmem>>)
      %dma_start3A_9 = arith.constant 0 : i32
      %dma_start3A_10 = arith.constant 0 : i32
      %dma_start3A_11 = tpu.memref_slice %arg2[%dma_start3A_9, %dma_start3A_10] : memref<2000x128xf32, #tpu.memory_space<hbm>> -> memref<2000x128xf32, #tpu.memory_space<hbm>>
      tpu.enqueue_indirect_dma source(%dma_start3A_11 : memref<2000x128xf32, #tpu.memory_space<hbm>>) target(%arg9 : memref<80x128xf32, #tpu.memory_space<vmem>>) offsets(%arg7 : memref<80xi32, #tpu.memory_space<vmem>>) semaphore(%arg10 : memref<!tpu.dma_semaphore, #tpu.memory_space<semaphore_mem>>)
      %dma_wait3A_12 = tpu.memref_slice %arg5[%mul3A_4] : memref<2000xi32, #tpu.memory_space<hbm>> -> memref<80xi32, #tpu.memory_space<hbm>>
      %dma_wait3A_13 = tpu.memref_slice %arg5[%mul3A_4] : memref<2000xi32, #tpu.memory_space<hbm>> -> memref<80xi32, #tpu.memory_space<hbm>>
      tpu.wait_dma2 semaphore(%arg11 : memref<!tpu.dma_semaphore, #tpu.memory_space<semaphore_mem>>) src(%dma_wait3A_13 : memref<80xi32, #tpu.memory_space<hbm>>) dst(%arg8 : memref<80xi32, #tpu.memory_space<vmem>>)
      %dma_wait3A_14 = arith.constant 0 : i32
      %dma_wait3A_15 = arith.constant 0 : i32
      %dma_wait3A_16 = tpu.memref_slice %arg2[%dma_wait3A_14, %dma_wait3A_15] : memref<2000x128xf32, #tpu.memory_space<hbm>> -> memref<2000x128xf32, #tpu.memory_space<hbm>>
      tpu.wait_indirect_dma semaphore(%arg10 : memref<!tpu.dma_semaphore, #tpu.memory_space<semaphore_mem>>) src(%dma_wait3A_16 : memref<2000x128xf32, #tpu.memory_space<hbm>>) dst(%arg9 : memref<80x128xf32, #tpu.memory_space<vmem>>)
      %dma_start3A_17 = arith.constant 0 : i32
      %dma_start3A_18 = arith.constant 0 : i32
      %dma_start3A_19 = tpu.memref_slice %arg3[%dma_start3A_17, %dma_start3A_18] : memref<13x128xf32, #tpu.memory_space<hbm>> -> memref<13x128xf32, #tpu.memory_space<hbm>>
      tpu.enqueue_indirect_dma source(%dma_start3A_19 : memref<13x128xf32, #tpu.memory_space<hbm>>) target(%arg9 : memref<80x128xf32, #tpu.memory_space<vmem>>) offsets(%arg8 : memref<80xi32, #tpu.memory_space<vmem>>) semaphore(%arg11 : memref<!tpu.dma_semaphore, #tpu.memory_space<semaphore_mem>>) {add = true}
      %dma_wait3A_20 = arith.constant 0 : i32
      %dma_wait3A_21 = arith.constant 0 : i32
      %dma_wait3A_22 = tpu.memref_slice %arg3[%dma_wait3A_20, %dma_wait3A_21] : memref<13x128xf32, #tpu.memory_space<hbm>> -> memref<13x128xf32, #tpu.memory_space<hbm>>
      tpu.wait_indirect_dma semaphore(%arg11 : memref<!tpu.dma_semaphore, #tpu.memory_space<semaphore_mem>>) src(%dma_wait3A_22 : memref<13x128xf32, #tpu.memory_space<hbm>>) dst(%arg9 : memref<80x128xf32, #tpu.memory_space<vmem>>)
      %dma_start3A_23 = arith.constant 0 : i32
      %dma_start3A_24 = tpu.memref_slice %arg6[%mul3A_4, %dma_start3A_23] : memref<2000x128xf32, #tpu.memory_space<hbm>> -> memref<80x128xf32, #tpu.memory_space<hbm>>
      %dma_start3A_25 = arith.constant 0 : i32
      %dma_start3A_26 = tpu.memref_slice %arg6[%mul3A_4, %dma_start3A_25] : memref<2000x128xf32, #tpu.memory_space<hbm>> -> memref<80x128xf32, #tpu.memory_space<hbm>>
      tpu.enqueue_dma source(%arg9 : memref<80x128xf32, #tpu.memory_space<vmem>>) target(%dma_start3A_26 : memref<80x128xf32, #tpu.memory_space<hbm>>) target_semaphore(%arg12 : memref<!tpu.dma_semaphore, #tpu.memory_space<semaphore_mem>>)
      %dma_wait3A_27 = arith.constant 0 : i32
      %dma_wait3A_28 = tpu.memref_slice %arg6[%mul3A_4, %dma_wait3A_27] : memref<2000x128xf32, #tpu.memory_space<hbm>> -> memref<80x128xf32, #tpu.memory_space<hbm>>
      %dma_wait3A_29 = arith.constant 0 : i32
      %dma_wait3A_30 = tpu.memref_slice %arg6[%mul3A_4, %dma_wait3A_29] : memref<2000x128xf32, #tpu.memory_space<hbm>> -> memref<80x128xf32, #tpu.memory_space<hbm>>
      tpu.wait_dma2 semaphore(%arg12 : memref<!tpu.dma_semaphore, #tpu.memory_space<semaphore_mem>>) src(%arg9 : memref<80x128xf32, #tpu.memory_space<vmem>>) dst(%dma_wait3A_30 : memref<80x128xf32, #tpu.memory_space<hbm>>)
    } else {
    }
    return
  }
}

module attributes {stable_mosaic.version = 14 : i64} {
  func.func @_root_body(%arg0: i32, %arg1: memref<400x2048xf32, #tpu.memory_space<vmem>>, %arg2: memref<400x2048xf32, #tpu.memory_space<vmem>>, %arg3: memref<2048x128xf32, #tpu.memory_space<vmem>>, %arg4: memref<2048x128xf32, #tpu.memory_space<vmem>>, %arg5: memref<1x128xf32, #tpu.memory_space<vmem>>, %arg6: memref<128x128xf32, #tpu.memory_space<vmem>>, %arg7: memref<128x128xf32, #tpu.memory_space<vmem>>, %arg8: memref<128x128xf32, #tpu.memory_space<vmem>>, %arg9: memref<1x128xf32, #tpu.memory_space<vmem>>, %arg10: memref<128x128xf32, #tpu.memory_space<vmem>>, %arg11: memref<128x128xf32, #tpu.memory_space<vmem>>, %arg12: memref<1x128xf32, #tpu.memory_space<vmem>>, %arg13: memref<1x128xf32, #tpu.memory_space<vmem>>, %arg14: memref<400x128xf32, #tpu.memory_space<vmem>>, %arg15: memref<128x128xf32, #tpu.memory_space<vmem>>, %arg16: memref<1x128xf32, #tpu.memory_space<vmem>>, %arg17: memref<13x128xf32, #tpu.memory_space<vmem>>) attributes {dimension_semantics = [#tpu.dimension_semantics<arbitrary>], iteration_bounds = array<i64: 5>, scalar_prefetch = 0 : i64, scratch_operands = 0 : i64, tpu.core_type = #tpu.core_type<tc>, window_params = [{transform_indices = @transform_0, window_bounds = array<i64: 400, 2048>}, {transform_indices = @transform_1, window_bounds = array<i64: 400, 2048>}, {transform_indices = @transform_2, window_bounds = array<i64: 2048, 128>}, {transform_indices = @transform_3, window_bounds = array<i64: 2048, 128>}, {pipeline_mode = #tpu.pipeline_mode<synchronous>, transform_indices = @transform_4, window_bounds = array<i64: 1, 128>}, {transform_indices = @transform_5, window_bounds = array<i64: 128, 128>}, {transform_indices = @transform_6, window_bounds = array<i64: 128, 128>}, {transform_indices = @transform_7, window_bounds = array<i64: 128, 128>}, {pipeline_mode = #tpu.pipeline_mode<synchronous>, transform_indices = @transform_8, window_bounds = array<i64: 1, 128>}, {pipeline_mode = #tpu.pipeline_mode<synchronous>, transform_indices = @transform_9, window_bounds = array<i64: 128, 128>}, {pipeline_mode = #tpu.pipeline_mode<synchronous>, transform_indices = @transform_10, window_bounds = array<i64: 128, 128>}, {pipeline_mode = #tpu.pipeline_mode<synchronous>, transform_indices = @transform_11, window_bounds = array<i64: 1, 128>}, {pipeline_mode = #tpu.pipeline_mode<synchronous>, transform_indices = @transform_12, window_bounds = array<i64: 1, 128>}, {transform_indices = @transform_13, window_bounds = array<i64: 400, 128>}, {pipeline_mode = #tpu.pipeline_mode<synchronous>, transform_indices = @transform_14, window_bounds = array<i64: 128, 128>}, {pipeline_mode = #tpu.pipeline_mode<synchronous>, transform_indices = @transform_15, window_bounds = array<i64: 1, 128>}, {pipeline_mode = #tpu.pipeline_mode<synchronous>, transform_indices = @transform_16, window_bounds = array<i64: 13, 128>}]} {
    %eq3A = arith.constant 0 : i32
    %eq3A_0 = arith.cmpi eq, %arg0, %eq3A : i32
    %convert_element_type3A = arith.extui %eq3A_0 : i1 to i32
    %cond3A = arith.constant 0 : i32
    %cond3A_1 = arith.cmpi ne, %convert_element_type3A, %cond3A : i32
    scf.if %cond3A_1 {
      %get3A_34 = arith.constant 0 : index
      %get3A_35 = arith.constant 0 : index
      %get3A_36 = vector.load %arg10[%get3A_34, %get3A_35] : memref<128x128xf32, #tpu.memory_space<vmem>>, vector<128x128xf32>
      %get3A_37 = arith.constant 0 : index
      %get3A_38 = arith.constant 0 : index
      %get3A_39 = vector.load %arg11[%get3A_37, %get3A_38] : memref<128x128xf32, #tpu.memory_space<vmem>>, vector<128x128xf32>
      %dot_general3A_40 = arith.constant dense<0.000000e+00> : vector<128x128xf32>
      %dot_general3A_41 = tpu.matmul %get3A_36, %get3A_39, %dot_general3A_40 {dimension_numbers = #tpu.dot_dimension_numbers<[1], [0], [0], [1], [0, 0, 1, 1], [], []>, transpose_lhs_hint = false} : vector<128x128xf32>, vector<128x128xf32>, vector<128x128xf32> -> vector<128x128xf32>
      %swap3A_42 = arith.constant 0 : index
      %swap3A_43 = arith.constant 0 : index
      %swap3A_44 = vector.load %arg15[%swap3A_42, %swap3A_43] : memref<128x128xf32, #tpu.memory_space<vmem>>, vector<128x128xf32>
      tpu.vector_store %arg15[%swap3A_42, %swap3A_43], %dot_general3A_41 {strides = array<i32>} : memref<128x128xf32, #tpu.memory_space<vmem>>, vector<128x128xf32>,
      %get3A_45 = arith.constant 0 : index
      %get3A_46 = arith.constant 0 : index
      %get3A_47 = vector.load %arg12[%get3A_45, %get3A_46] : memref<1x128xf32, #tpu.memory_space<vmem>>, vector<1x128xf32>
      %get3A_48 = arith.constant 0 : index
      %get3A_49 = arith.constant 0 : index
      %get3A_50 = vector.load %arg11[%get3A_48, %get3A_49] : memref<128x128xf32, #tpu.memory_space<vmem>>, vector<128x128xf32>
      %dot_general3A_51 = arith.constant dense<0.000000e+00> : vector<1x128xf32>
      %dot_general3A_52 = tpu.matmul %get3A_47, %get3A_50, %dot_general3A_51 {dimension_numbers = #tpu.dot_dimension_numbers<[1], [0], [0], [1], [0, 0, 1, 1], [], []>, transpose_lhs_hint = false} : vector<1x128xf32>, vector<128x128xf32>, vector<1x128xf32> -> vector<1x128xf32>
      %get3A_53 = arith.constant 0 : index
      %get3A_54 = arith.constant 0 : index
      %get3A_55 = vector.load %arg13[%get3A_53, %get3A_54] : memref<1x128xf32, #tpu.memory_space<vmem>>, vector<1x128xf32>
      %add3A_56 = arith.addf %dot_general3A_52, %get3A_55 : vector<1x128xf32>
      %swap3A_57 = arith.constant 0 : index
      %swap3A_58 = arith.constant 0 : index
      %swap3A_59 = vector.load %arg16[%swap3A_57, %swap3A_58] : memref<1x128xf32, #tpu.memory_space<vmem>>, vector<1x128xf32>
      tpu.vector_store %arg16[%swap3A_57, %swap3A_58], %add3A_56 {strides = array<i32>} : memref<1x128xf32, #tpu.memory_space<vmem>>, vector<1x128xf32>,
      %get3A_60 = arith.constant 0 : index
      %get3A_61 = arith.constant 0 : index
      %get3A_62 = vector.load %arg8[%get3A_60, %get3A_61] : memref<128x128xf32, #tpu.memory_space<vmem>>, vector<128x128xf32>
      %slice3A = vector.extract_strided_slice %get3A_62 {offsets = [0, 0], sizes = [13, 128], strides = [1, 1]} : vector<128x128xf32> to vector<13x128xf32>
      %get3A_63 = arith.constant 0 : index
      %get3A_64 = arith.constant 0 : index
      %get3A_65 = vector.load %arg9[%get3A_63, %get3A_64] : memref<1x128xf32, #tpu.memory_space<vmem>>, vector<1x128xf32>
      %add3A_66 = vector.broadcast %get3A_65 : vector<1x128xf32> to vector<13x128xf32>
      %add3A_67 = arith.addf %slice3A, %add3A_66 : vector<13x128xf32>
      %swap3A_68 = arith.constant 0 : index
      %swap3A_69 = arith.constant 0 : index
      %swap3A_70 = vector.load %arg17[%swap3A_68, %swap3A_69] : memref<13x128xf32, #tpu.memory_space<vmem>>, vector<13x128xf32>
      tpu.vector_store %arg17[%swap3A_68, %swap3A_69], %add3A_67 {strides = array<i32>} : memref<13x128xf32, #tpu.memory_space<vmem>>, vector<13x128xf32>,
    } else {
    }
    %get3A = arith.constant 0 : index
    %get3A_2 = arith.constant 0 : index
    %get3A_3 = vector.load %arg1[%get3A, %get3A_2] : memref<400x2048xf32, #tpu.memory_space<vmem>>, vector<400x2048xf32>
    %get3A_4 = arith.constant 0 : index
    %get3A_5 = arith.constant 0 : index
    %get3A_6 = vector.load %arg3[%get3A_4, %get3A_5] : memref<2048x128xf32, #tpu.memory_space<vmem>>, vector<2048x128xf32>
    %dot_general3A = arith.constant dense<0.000000e+00> : vector<400x128xf32>
    %dot_general3A_7 = tpu.matmul %get3A_3, %get3A_6, %dot_general3A {dimension_numbers = #tpu.dot_dimension_numbers<[1], [0], [0], [1], [0, 0, 1, 1], [], []>, transpose_lhs_hint = false} : vector<400x2048xf32>, vector<2048x128xf32>, vector<400x128xf32> -> vector<400x128xf32>
    %get3A_8 = arith.constant 0 : index
    %get3A_9 = arith.constant 0 : index
    %get3A_10 = vector.load %arg2[%get3A_8, %get3A_9] : memref<400x2048xf32, #tpu.memory_space<vmem>>, vector<400x2048xf32>
    %get3A_11 = arith.constant 0 : index
    %get3A_12 = arith.constant 0 : index
    %get3A_13 = vector.load %arg4[%get3A_11, %get3A_12] : memref<2048x128xf32, #tpu.memory_space<vmem>>, vector<2048x128xf32>
    %dot_general3A_14 = arith.constant dense<0.000000e+00> : vector<400x128xf32>
    %dot_general3A_15 = tpu.matmul %get3A_10, %get3A_13, %dot_general3A_14 {dimension_numbers = #tpu.dot_dimension_numbers<[1], [0], [0], [1], [0, 0, 1, 1], [], []>, transpose_lhs_hint = false} : vector<400x2048xf32>, vector<2048x128xf32>, vector<400x128xf32> -> vector<400x128xf32>
    %add3A = arith.addf %dot_general3A_7, %dot_general3A_15 : vector<400x128xf32>
    %get3A_16 = arith.constant 0 : index
    %get3A_17 = arith.constant 0 : index
    %get3A_18 = vector.load %arg5[%get3A_16, %get3A_17] : memref<1x128xf32, #tpu.memory_space<vmem>>, vector<1x128xf32>
    %add3A_19 = vector.broadcast %get3A_18 : vector<1x128xf32> to vector<400x128xf32>
    %add3A_20 = arith.addf %add3A, %add3A_19 : vector<400x128xf32>
    %max3A = arith.constant 0.000000e+00 : f32
    %max3A_21 = vector.broadcast %max3A : f32 to vector<400x128xf32>
    %max3A_22 = arith.maximumf %add3A_20, %max3A_21 : vector<400x128xf32>
    %get3A_23 = arith.constant 0 : index
    %get3A_24 = arith.constant 0 : index
    %get3A_25 = vector.load %arg6[%get3A_23, %get3A_24] : memref<128x128xf32, #tpu.memory_space<vmem>>, vector<128x128xf32>
    %get3A_26 = arith.constant 0 : index
    %get3A_27 = arith.constant 0 : index
    %get3A_28 = vector.load %arg7[%get3A_26, %get3A_27] : memref<128x128xf32, #tpu.memory_space<vmem>>, vector<128x128xf32>
    %add3A_29 = arith.addf %get3A_25, %get3A_28 : vector<128x128xf32>
    %dot_general3A_30 = arith.constant dense<0.000000e+00> : vector<400x128xf32>
    %dot_general3A_31 = tpu.matmul %max3A_22, %add3A_29, %dot_general3A_30 {dimension_numbers = #tpu.dot_dimension_numbers<[1], [0], [0], [1], [0, 0, 1, 1], [], []>, transpose_lhs_hint = false} : vector<400x128xf32>, vector<128x128xf32>, vector<400x128xf32> -> vector<400x128xf32>
    %swap3A = arith.constant 0 : index
    %swap3A_32 = arith.constant 0 : index
    %swap3A_33 = vector.load %arg14[%swap3A, %swap3A_32] : memref<400x128xf32, #tpu.memory_space<vmem>>, vector<400x128xf32>
    tpu.vector_store %arg14[%swap3A, %swap3A_32], %dot_general3A_31 {strides = array<i32>} : memref<400x128xf32, #tpu.memory_space<vmem>>, vector<400x128xf32>,
    return
  }
  func.func @transform_0(%arg0: i32) -> (i32, i32) {
    %c0_i32 = arith.constant 0 : i32
    %c0_i32_0 = arith.constant 0 : i32
    return %arg0, %c0_i32 : i32, i32
  }
  func.func @transform_1(%arg0: i32) -> (i32, i32) {
    %c1_i32 = arith.constant 1 : i32
    %c0_i32 = arith.constant 0 : i32
    return %arg0, %c1_i32 : i32, i32
  }
  func.func @transform_2(%arg0: i32) -> (i32, i32) {
    %c0_i32 = arith.constant 0 : i32
    %c0_i32_0 = arith.constant 0 : i32
    %c0_i32_1 = arith.constant 0 : i32
    return %c0_i32, %c0_i32_0 : i32, i32
  }
  func.func @transform_3(%arg0: i32) -> (i32, i32) {
    %c1_i32 = arith.constant 1 : i32
    %c0_i32 = arith.constant 0 : i32
    %c0_i32_0 = arith.constant 0 : i32
    return %c1_i32, %c0_i32 : i32, i32
  }
  func.func @transform_4(%arg0: i32) -> (i32, i32) {
    %c0_i32 = arith.constant 0 : i32
    %c0_i32_0 = arith.constant 0 : i32
    %c0_i32_1 = arith.constant 0 : i32
    return %c0_i32, %c0_i32_0 : i32, i32
  }
  func.func @transform_5(%arg0: i32) -> (i32, i32) {
    %c0_i32 = arith.constant 0 : i32
    %c0_i32_0 = arith.constant 0 : i32
    %c0_i32_1 = arith.constant 0 : i32
    return %c0_i32, %c0_i32_0 : i32, i32
  }
  func.func @transform_6(%arg0: i32) -> (i32, i32) {
    %c1_i32 = arith.constant 1 : i32
    %c0_i32 = arith.constant 0 : i32
    %c0_i32_0 = arith.constant 0 : i32
    return %c1_i32, %c0_i32 : i32, i32
  }
  func.func @transform_7(%arg0: i32) -> (i32, i32) {
    %c3_i32 = arith.constant 3 : i32
    %c0_i32 = arith.constant 0 : i32
    %c0_i32_0 = arith.constant 0 : i32
    return %c3_i32, %c0_i32 : i32, i32
  }
  func.func @transform_8(%arg0: i32) -> (i32, i32) {
    %c0_i32 = arith.constant 0 : i32
    %c0_i32_0 = arith.constant 0 : i32
    %c0_i32_1 = arith.constant 0 : i32
    return %c0_i32, %c0_i32_0 : i32, i32
  }
  func.func @transform_9(%arg0: i32) -> (i32, i32) {
    %c0_i32 = arith.constant 0 : i32
    %c0_i32_0 = arith.constant 0 : i32
    %c0_i32_1 = arith.constant 0 : i32
    return %c0_i32, %c0_i32_0 : i32, i32
  }
  func.func @transform_10(%arg0: i32) -> (i32, i32) {
    %c0_i32 = arith.constant 0 : i32
    %c0_i32_0 = arith.constant 0 : i32
    %c0_i32_1 = arith.constant 0 : i32
    return %c0_i32, %c0_i32_0 : i32, i32
  }
  func.func @transform_11(%arg0: i32) -> (i32, i32) {
    %c0_i32 = arith.constant 0 : i32
    %c0_i32_0 = arith.constant 0 : i32
    %c0_i32_1 = arith.constant 0 : i32
    return %c0_i32, %c0_i32_0 : i32, i32
  }
  func.func @transform_12(%arg0: i32) -> (i32, i32) {
    %c0_i32 = arith.constant 0 : i32
    %c0_i32_0 = arith.constant 0 : i32
    %c0_i32_1 = arith.constant 0 : i32
    return %c0_i32, %c0_i32_0 : i32, i32
  }
  func.func @transform_13(%arg0: i32) -> (i32, i32) {
    %c0_i32 = arith.constant 0 : i32
    %c0_i32_0 = arith.constant 0 : i32
    return %arg0, %c0_i32 : i32, i32
  }
  func.func @transform_14(%arg0: i32) -> (i32, i32) {
    %c0_i32 = arith.constant 0 : i32
    %c0_i32_0 = arith.constant 0 : i32
    %c0_i32_1 = arith.constant 0 : i32
    return %c0_i32, %c0_i32_0 : i32, i32
  }
  func.func @transform_15(%arg0: i32) -> (i32, i32) {
    %c0_i32 = arith.constant 0 : i32
    %c0_i32_0 = arith.constant 0 : i32
    %c0_i32_1 = arith.constant 0 : i32
    return %c0_i32, %c0_i32_0 : i32, i32
  }
  func.func @transform_16(%arg0: i32) -> (i32, i32) {
    %c0_i32 = arith.constant 0 : i32
    %c0_i32_0 = arith.constant 0 : i32
    %c0_i32_1 = arith.constant 0 : i32
    return %c0_i32, %c0_i32_0 : i32, i32
  }
}

module attributes {stable_mosaic.version = 14 : i64} {
  func.func @_node_body(%arg0: i32, %arg1: memref<2000x128xf32, #tpu.memory_space<vmem>>, %arg2: memref<40x128xf32, #tpu.memory_space<vmem>>, %arg3: memref<1x1xf32, #tpu.memory_space<vmem>>, %arg4: memref<128x128xf32, #tpu.memory_space<vmem>>, %arg5: memref<1x128xf32, #tpu.memory_space<vmem>>, %arg6: memref<128x128xf32, #tpu.memory_space<vmem>>, %arg7: memref<1x128xf32, #tpu.memory_space<vmem>>, %arg8: memref<128x128xf32, #tpu.memory_space<vmem>>, %arg9: memref<128x128xf32, #tpu.memory_space<vmem>>, %arg10: memref<128x128xf32, #tpu.memory_space<vmem>>, %arg11: memref<1x128xf32, #tpu.memory_space<vmem>>, %arg12: memref<1x128xf32, #tpu.memory_space<vmem>>, %arg13: memref<1x1xf32, #tpu.memory_space<vmem>>, %arg14: memref<40x50xf32, #tpu.memory_space<vmem>>, %arg15: memref<40x2000xf32, #tpu.memory_space<vmem>>, %arg16: memref<2000x40xf32, #tpu.memory_space<vmem>>, %arg17: memref<2000x50xf32, #tpu.memory_space<vmem>>) attributes {dimension_semantics = [#tpu.dimension_semantics<arbitrary>], iteration_bounds = array<i64: 50>, scalar_prefetch = 0 : i64, scratch_operands = 3 : i64, tpu.core_type = #tpu.core_type<tc>, window_params = [{transform_indices = @transform_0, window_bounds = array<i64: 2000, 128>}, {transform_indices = @transform_1, window_bounds = array<i64: 40, 128>}, {pipeline_mode = #tpu.pipeline_mode<synchronous>, transform_indices = @transform_2, window_bounds = array<i64: 1, 1>}, {pipeline_mode = #tpu.pipeline_mode<synchronous>, transform_indices = @transform_3, window_bounds = array<i64: 128, 128>}, {pipeline_mode = #tpu.pipeline_mode<synchronous>, transform_indices = @transform_4, window_bounds = array<i64: 1, 128>}, {pipeline_mode = #tpu.pipeline_mode<synchronous>, transform_indices = @transform_5, window_bounds = array<i64: 128, 128>}, {pipeline_mode = #tpu.pipeline_mode<synchronous>, transform_indices = @transform_6, window_bounds = array<i64: 1, 128>}, {transform_indices = @transform_7, window_bounds = array<i64: 128, 128>}, {transform_indices = @transform_8, window_bounds = array<i64: 128, 128>}, {pipeline_mode = #tpu.pipeline_mode<synchronous>, transform_indices = @transform_9, window_bounds = array<i64: 128, 128>}, {pipeline_mode = #tpu.pipeline_mode<synchronous>, transform_indices = @transform_10, window_bounds = array<i64: 1, 128>}, {pipeline_mode = #tpu.pipeline_mode<synchronous>, transform_indices = @transform_11, window_bounds = array<i64: 1, 128>}, {pipeline_mode = #tpu.pipeline_mode<synchronous>, transform_indices = @transform_12, window_bounds = array<i64: 1, 1>}, {transform_indices = @transform_13, window_bounds = array<i64: 40, 50>}]} {
    %eq3A = arith.constant 0 : i32
    %eq3A_0 = arith.cmpi eq, %arg0, %eq3A : i32
    %convert_element_type3A = arith.extui %eq3A_0 : i1 to i32
    %cond3A = arith.constant 0 : i32
    %cond3A_1 = arith.cmpi ne, %convert_element_type3A, %cond3A : i32
    scf.if %cond3A_1 {
      %iota3A = tpu.iota {dimensions = array<i32: 1>} : vector<40x2000xi32>
      %jit3A = arith.constant 50 : i32
      %div3A_103 = vector.broadcast %jit3A : i32 to vector<40x2000xi32>
      %div3A_104 = arith.divsi %iota3A, %div3A_103 : vector<40x2000xi32>
      %sign3A = arith.constant 0 : i32
      %sign3A_105 = vector.broadcast %sign3A : i32 to vector<40x2000xi32>
      %sign3A_106 = arith.cmpi sgt, %iota3A, %sign3A_105 : vector<40x2000xi32>
      %sign3A_107 = arith.extui %sign3A_106 : vector<40x2000xi1> to vector<40x2000xi32>
      %sign3A_108 = arith.constant 0 : i32
      %sign3A_109 = vector.broadcast %sign3A_108 : i32 to vector<40x2000xi32>
      %sign3A_110 = arith.cmpi slt, %iota3A, %sign3A_109 : vector<40x2000xi32>
      %sign3A_111 = arith.extui %sign3A_110 : vector<40x2000xi1> to vector<40x2000xi32>
      %sign3A_112 = arith.subi %sign3A_107, %sign3A_111 : vector<40x2000xi32>
      %sign3A_113 = arith.constant 0 : i32
      %sign3A_114 = arith.cmpi sgt, %jit3A, %sign3A_113 : i32
      %sign3A_115 = arith.extui %sign3A_114 : i1 to i32
      %sign3A_116 = arith.constant 0 : i32
      %sign3A_117 = arith.cmpi slt, %jit3A, %sign3A_116 : i32
      %sign3A_118 = arith.extui %sign3A_117 : i1 to i32
      %sign3A_119 = arith.subi %sign3A_115, %sign3A_118 : i32
      %ne3A = vector.broadcast %sign3A_119 : i32 to vector<40x2000xi32>
      %ne3A_120 = arith.cmpi ne, %sign3A_112, %ne3A : vector<40x2000xi32>
      %rem3A = vector.broadcast %jit3A : i32 to vector<40x2000xi32>
      %rem3A_121 = arith.remsi %iota3A, %rem3A : vector<40x2000xi32>
      %ne3A_122 = arith.constant 0 : i32
      %ne3A_123 = vector.broadcast %ne3A_122 : i32 to vector<40x2000xi32>
      %ne3A_124 = arith.cmpi ne, %rem3A_121, %ne3A_123 : vector<40x2000xi32>
      %and3A = arith.andi %ne3A_120, %ne3A_124 : vector<40x2000xi1>
      %sub3A_125 = arith.constant 1 : i32
      %sub3A_126 = vector.broadcast %sub3A_125 : i32 to vector<40x2000xi32>
      %sub3A_127 = arith.subi %div3A_104, %sub3A_126 : vector<40x2000xi32>
      %select_n3A = arith.select %and3A, %sub3A_127, %div3A_104 : vector<40x2000xi1>, vector<40x2000xi32>
      %iota3A_128 = tpu.iota {dimensions = array<i32: 0>} : vector<40x2000xi32>
      %eq3A_129 = arith.cmpi eq, %select_n3A, %iota3A_128 : vector<40x2000xi32>
      %convert_element_type3A_130 = arith.extui %eq3A_129 : vector<40x2000xi1> to vector<40x2000xi32>
      %convert_element_type3A_131 = arith.sitofp %convert_element_type3A_130 : vector<40x2000xi32> to vector<40x2000xf32>
      %swap3A_132 = arith.constant 0 : index
      %swap3A_133 = arith.constant 0 : index
      %swap3A_134 = vector.load %arg15[%swap3A_132, %swap3A_133] : memref<40x2000xf32, #tpu.memory_space<vmem>>, vector<40x2000xf32>
      tpu.vector_store %arg15[%swap3A_132, %swap3A_133], %convert_element_type3A_131 {strides = array<i32>} : memref<40x2000xf32, #tpu.memory_space<vmem>>, vector<40x2000xf32>,
      %iota3A_135 = tpu.iota {dimensions = array<i32: 0>} : vector<2000x40xi32>
      %jit3A_136 = arith.constant 50 : i32
      %div3A_137 = vector.broadcast %jit3A_136 : i32 to vector<2000x40xi32>
      %div3A_138 = arith.divsi %iota3A_135, %div3A_137 : vector<2000x40xi32>
      %sign3A_139 = arith.constant 0 : i32
      %sign3A_140 = vector.broadcast %sign3A_139 : i32 to vector<2000x40xi32>
      %sign3A_141 = arith.cmpi sgt, %iota3A_135, %sign3A_140 : vector<2000x40xi32>
      %sign3A_142 = arith.extui %sign3A_141 : vector<2000x40xi1> to vector<2000x40xi32>
      %sign3A_143 = arith.constant 0 : i32
      %sign3A_144 = vector.broadcast %sign3A_143 : i32 to vector<2000x40xi32>
      %sign3A_145 = arith.cmpi slt, %iota3A_135, %sign3A_144 : vector<2000x40xi32>
      %sign3A_146 = arith.extui %sign3A_145 : vector<2000x40xi1> to vector<2000x40xi32>
      %sign3A_147 = arith.subi %sign3A_142, %sign3A_146 : vector<2000x40xi32>
      %sign3A_148 = arith.constant 0 : i32
      %sign3A_149 = arith.cmpi sgt, %jit3A_136, %sign3A_148 : i32
      %sign3A_150 = arith.extui %sign3A_149 : i1 to i32
      %sign3A_151 = arith.constant 0 : i32
      %sign3A_152 = arith.cmpi slt, %jit3A_136, %sign3A_151 : i32
      %sign3A_153 = arith.extui %sign3A_152 : i1 to i32
      %sign3A_154 = arith.subi %sign3A_150, %sign3A_153 : i32
      %ne3A_155 = vector.broadcast %sign3A_154 : i32 to vector<2000x40xi32>
      %ne3A_156 = arith.cmpi ne, %sign3A_147, %ne3A_155 : vector<2000x40xi32>
      %rem3A_157 = vector.broadcast %jit3A_136 : i32 to vector<2000x40xi32>
      %rem3A_158 = arith.remsi %iota3A_135, %rem3A_157 : vector<2000x40xi32>
      %ne3A_159 = arith.constant 0 : i32
      %ne3A_160 = vector.broadcast %ne3A_159 : i32 to vector<2000x40xi32>
      %ne3A_161 = arith.cmpi ne, %rem3A_158, %ne3A_160 : vector<2000x40xi32>
      %and3A_162 = arith.andi %ne3A_156, %ne3A_161 : vector<2000x40xi1>
      %sub3A_163 = arith.constant 1 : i32
      %sub3A_164 = vector.broadcast %sub3A_163 : i32 to vector<2000x40xi32>
      %sub3A_165 = arith.subi %div3A_138, %sub3A_164 : vector<2000x40xi32>
      %select_n3A_166 = arith.select %and3A_162, %sub3A_165, %div3A_138 : vector<2000x40xi1>, vector<2000x40xi32>
      %iota3A_167 = tpu.iota {dimensions = array<i32: 1>} : vector<2000x40xi32>
      %eq3A_168 = arith.cmpi eq, %select_n3A_166, %iota3A_167 : vector<2000x40xi32>
      %convert_element_type3A_169 = arith.extui %eq3A_168 : vector<2000x40xi1> to vector<2000x40xi32>
      %convert_element_type3A_170 = arith.sitofp %convert_element_type3A_169 : vector<2000x40xi32> to vector<2000x40xf32>
      %swap3A_171 = arith.constant 0 : index
      %swap3A_172 = arith.constant 0 : index
      %swap3A_173 = vector.load %arg16[%swap3A_171, %swap3A_172] : memref<2000x40xf32, #tpu.memory_space<vmem>>, vector<2000x40xf32>
      tpu.vector_store %arg16[%swap3A_171, %swap3A_172], %convert_element_type3A_170 {strides = array<i32>} : memref<2000x40xf32, #tpu.memory_space<vmem>>, vector<2000x40xf32>,
      %iota3A_174 = tpu.iota {dimensions = array<i32: 0>} : vector<2000x50xi32>
      %jit3A_175 = arith.constant 50 : i32
      %eq3A_176 = arith.constant 0 : i32
      %eq3A_177 = arith.cmpi eq, %jit3A_175, %eq3A_176 : i32
      %jit3A_178 = arith.constant 1 : i32
      %select_n3A_179 = arith.select %eq3A_177, %jit3A_178, %jit3A_175 : i32
      %rem3A_180 = vector.broadcast %select_n3A_179 : i32 to vector<2000x50xi32>
      %rem3A_181 = arith.remsi %iota3A_174, %rem3A_180 : vector<2000x50xi32>
      %ne3A_182 = arith.constant 0 : i32
      %ne3A_183 = vector.broadcast %ne3A_182 : i32 to vector<2000x50xi32>
      %ne3A_184 = arith.cmpi ne, %rem3A_181, %ne3A_183 : vector<2000x50xi32>
      %lt3A = arith.constant 0 : i32
      %lt3A_185 = vector.broadcast %lt3A : i32 to vector<2000x50xi32>
      %lt3A_186 = arith.cmpi slt, %rem3A_181, %lt3A_185 : vector<2000x50xi32>
      %lt3A_187 = arith.constant 0 : i32
      %lt3A_188 = arith.cmpi slt, %select_n3A_179, %lt3A_187 : i32
      %ne3A_189 = vector.broadcast %lt3A_188 : i1 to vector<2000x50xi1>
      %ne3A_190 = vector.broadcast %ne3A_189 : vector<2000x50xi1> to vector<2000x50xi1>
      %ne3A_191 = arith.xori %lt3A_186, %ne3A_190 : vector<2000x50xi1>
      %and3A_192 = arith.andi %ne3A_191, %ne3A_184 : vector<2000x50xi1>
      %add3A_193 = vector.broadcast %select_n3A_179 : i32 to vector<2000x50xi32>
      %add3A_194 = arith.addi %rem3A_181, %add3A_193 : vector<2000x50xi32>
      %select_n3A_195 = arith.select %and3A_192, %add3A_194, %rem3A_181 : vector<2000x50xi1>, vector<2000x50xi32>
      %iota3A_196 = tpu.iota {dimensions = array<i32: 1>} : vector<2000x50xi32>
      %eq3A_197 = arith.cmpi eq, %select_n3A_195, %iota3A_196 : vector<2000x50xi32>
      %convert_element_type3A_198 = arith.extui %eq3A_197 : vector<2000x50xi1> to vector<2000x50xi32>
      %convert_element_type3A_199 = arith.sitofp %convert_element_type3A_198 : vector<2000x50xi32> to vector<2000x50xf32>
      %swap3A_200 = arith.constant 0 : index
      %swap3A_201 = arith.constant 0 : index
      %swap3A_202 = vector.load %arg17[%swap3A_200, %swap3A_201] : memref<2000x50xf32, #tpu.memory_space<vmem>>, vector<2000x50xf32>
      tpu.vector_store %arg17[%swap3A_200, %swap3A_201], %convert_element_type3A_199 {strides = array<i32>} : memref<2000x50xf32, #tpu.memory_space<vmem>>, vector<2000x50xf32>,
    } else {
    }
    %get3A = arith.constant 0 : index
    %get3A_2 = arith.constant 0 : index
    %get3A_3 = vector.load %arg1[%get3A, %get3A_2] : memref<2000x128xf32, #tpu.memory_space<vmem>>, vector<2000x128xf32>
    %get3A_4 = arith.constant 0 : index
    %get3A_5 = arith.constant 0 : index
    %get3A_6 = vector.load %arg4[%get3A_4, %get3A_5] : memref<128x128xf32, #tpu.memory_space<vmem>>, vector<128x128xf32>
    %dot_general3A = arith.constant dense<0.000000e+00> : vector<2000x128xf32>
    %dot_general3A_7 = tpu.matmul %get3A_3, %get3A_6, %dot_general3A {dimension_numbers = #tpu.dot_dimension_numbers<[1], [0], [0], [1], [0, 0, 1, 1], [], []>, transpose_lhs_hint = false} : vector<2000x128xf32>, vector<128x128xf32>, vector<2000x128xf32> -> vector<2000x128xf32>
    %get3A_8 = arith.constant 0 : index
    %get3A_9 = arith.constant 0 : index
    %get3A_10 = vector.load %arg5[%get3A_8, %get3A_9] : memref<1x128xf32, #tpu.memory_space<vmem>>, vector<1x128xf32>
    %add3A = vector.broadcast %get3A_10 : vector<1x128xf32> to vector<2000x128xf32>
    %add3A_11 = arith.addf %dot_general3A_7, %add3A : vector<2000x128xf32>
    %max3A = arith.constant 0.000000e+00 : f32
    %max3A_12 = vector.broadcast %max3A : f32 to vector<2000x128xf32>
    %max3A_13 = arith.maximumf %add3A_11, %max3A_12 : vector<2000x128xf32>
    %get3A_14 = arith.constant 0 : index
    %get3A_15 = arith.constant 0 : index
    %get3A_16 = vector.load %arg6[%get3A_14, %get3A_15] : memref<128x128xf32, #tpu.memory_space<vmem>>, vector<128x128xf32>
    %dot_general3A_17 = arith.constant dense<0.000000e+00> : vector<2000x128xf32>
    %dot_general3A_18 = tpu.matmul %max3A_13, %get3A_16, %dot_general3A_17 {dimension_numbers = #tpu.dot_dimension_numbers<[1], [0], [0], [1], [0, 0, 1, 1], [], []>, transpose_lhs_hint = false} : vector<2000x128xf32>, vector<128x128xf32>, vector<2000x128xf32> -> vector<2000x128xf32>
    %get3A_19 = arith.constant 0 : index
    %get3A_20 = arith.constant 0 : index
    %get3A_21 = vector.load %arg7[%get3A_19, %get3A_20] : memref<1x128xf32, #tpu.memory_space<vmem>>, vector<1x128xf32>
    %add3A_22 = vector.broadcast %get3A_21 : vector<1x128xf32> to vector<2000x128xf32>
    %add3A_23 = arith.addf %dot_general3A_18, %add3A_22 : vector<2000x128xf32>
    %max3A_24 = arith.constant 0.000000e+00 : f32
    %max3A_25 = vector.broadcast %max3A_24 : f32 to vector<2000x128xf32>
    %max3A_26 = arith.maximumf %add3A_23, %max3A_25 : vector<2000x128xf32>
    %get3A_27 = arith.constant 0 : index
    %get3A_28 = arith.constant 0 : index
    %get3A_29 = vector.load %arg9[%get3A_27, %get3A_28] : memref<128x128xf32, #tpu.memory_space<vmem>>, vector<128x128xf32>
    %dot_general3A_30 = arith.constant dense<0.000000e+00> : vector<2000x128xf32>
    %dot_general3A_31 = tpu.matmul %max3A_26, %get3A_29, %dot_general3A_30 {dimension_numbers = #tpu.dot_dimension_numbers<[1], [0], [0], [1], [0, 0, 1, 1], [], []>, transpose_lhs_hint = false} : vector<2000x128xf32>, vector<128x128xf32>, vector<2000x128xf32> -> vector<2000x128xf32>
    %get3A_32 = arith.constant 0 : index
    %get3A_33 = arith.constant 0 : index
    %get3A_34 = vector.load %arg15[%get3A_32, %get3A_33] : memref<40x2000xf32, #tpu.memory_space<vmem>>, vector<40x2000xf32>
    %dot_general3A_35 = arith.constant dense<0.000000e+00> : vector<40x128xf32>
    %dot_general3A_36 = tpu.matmul %get3A_34, %max3A_26, %dot_general3A_35 {dimension_numbers = #tpu.dot_dimension_numbers<[1], [0], [0], [1], [0, 0, 1, 1], [], []>, transpose_lhs_hint = false} : vector<40x2000xf32>, vector<2000x128xf32>, vector<40x128xf32> -> vector<40x128xf32>
    %get3A_37 = arith.constant 0 : index
    %get3A_38 = arith.constant 0 : index
    %get3A_39 = vector.load %arg3[%get3A_37, %get3A_38] : memref<1x1xf32, #tpu.memory_space<vmem>>, vector<1x1xf32>
    %get3A_40 = vector.extract %get3A_39[0, 0] : f32 from vector<1x1xf32>
    %mul3A = vector.broadcast %get3A_40 : f32 to vector<40x128xf32>
    %mul3A_41 = arith.mulf %dot_general3A_36, %mul3A : vector<40x128xf32>
    %get3A_42 = arith.constant 0 : index
    %get3A_43 = arith.constant 0 : index
    %get3A_44 = vector.load %arg2[%get3A_42, %get3A_43] : memref<40x128xf32, #tpu.memory_space<vmem>>, vector<40x128xf32>
    %get3A_45 = arith.constant 0 : index
    %get3A_46 = arith.constant 0 : index
    %get3A_47 = vector.load %arg8[%get3A_45, %get3A_46] : memref<128x128xf32, #tpu.memory_space<vmem>>, vector<128x128xf32>
    %dot_general3A_48 = arith.constant dense<0.000000e+00> : vector<40x128xf32>
    %dot_general3A_49 = tpu.matmul %mul3A_41, %get3A_47, %dot_general3A_48 {dimension_numbers = #tpu.dot_dimension_numbers<[1], [0], [0], [1], [0, 0, 1, 1], [], []>, transpose_lhs_hint = false} : vector<40x128xf32>, vector<128x128xf32>, vector<40x128xf32> -> vector<40x128xf32>
    %sub3A = arith.subf %get3A_44, %dot_general3A_49 : vector<40x128xf32>
    %get3A_50 = arith.constant 0 : index
    %get3A_51 = arith.constant 0 : index
    %get3A_52 = vector.load %arg16[%get3A_50, %get3A_51] : memref<2000x40xf32, #tpu.memory_space<vmem>>, vector<2000x40xf32>
    %dot_general3A_53 = arith.constant dense<0.000000e+00> : vector<2000x128xf32>
    %dot_general3A_54 = tpu.matmul %get3A_52, %sub3A, %dot_general3A_53 {dimension_numbers = #tpu.dot_dimension_numbers<[1], [0], [0], [1], [0, 0, 1, 1], [], []>, transpose_lhs_hint = false} : vector<2000x40xf32>, vector<40x128xf32>, vector<2000x128xf32> -> vector<2000x128xf32>
    %add3A_55 = arith.addf %dot_general3A_31, %dot_general3A_54 : vector<2000x128xf32>
    %max3A_56 = arith.constant 0.000000e+00 : f32
    %max3A_57 = vector.broadcast %max3A_56 : f32 to vector<2000x128xf32>
    %max3A_58 = arith.maximumf %add3A_55, %max3A_57 : vector<2000x128xf32>
    %get3A_59 = arith.constant 0 : index
    %get3A_60 = arith.constant 0 : index
    %get3A_61 = vector.load %arg10[%get3A_59, %get3A_60] : memref<128x128xf32, #tpu.memory_space<vmem>>, vector<128x128xf32>
    %dot_general3A_62 = arith.constant dense<0.000000e+00> : vector<2000x128xf32>
    %dot_general3A_63 = tpu.matmul %max3A_58, %get3A_61, %dot_general3A_62 {dimension_numbers = #tpu.dot_dimension_numbers<[1], [0], [0], [1], [0, 0, 1, 1], [], []>, transpose_lhs_hint = false} : vector<2000x128xf32>, vector<128x128xf32>, vector<2000x128xf32> -> vector<2000x128xf32>
    %get3A_64 = arith.constant 0 : index
    %get3A_65 = arith.constant 0 : index
    %get3A_66 = vector.load %arg11[%get3A_64, %get3A_65] : memref<1x128xf32, #tpu.memory_space<vmem>>, vector<1x128xf32>
    %add3A_67 = vector.broadcast %get3A_66 : vector<1x128xf32> to vector<2000x128xf32>
    %add3A_68 = arith.addf %dot_general3A_63, %add3A_67 : vector<2000x128xf32>
    %max3A_69 = arith.constant 0.000000e+00 : f32
    %max3A_70 = vector.broadcast %max3A_69 : f32 to vector<2000x128xf32>
    %max3A_71 = arith.maximumf %add3A_68, %max3A_70 : vector<2000x128xf32>
    %get3A_72 = arith.constant 0 : index
    %get3A_73 = arith.constant 0 : index
    %get3A_74 = vector.load %arg12[%get3A_72, %get3A_73] : memref<1x128xf32, #tpu.memory_space<vmem>>, vector<1x128xf32>
    %mul3A_75 = vector.broadcast %get3A_74 : vector<1x128xf32> to vector<2000x128xf32>
    %mul3A_76 = arith.mulf %max3A_71, %mul3A_75 : vector<2000x128xf32>
    %reduce_sum3A = arith.constant dense<0.000000e+00> : vector<2000xf32>
    %reduce_sum3A_77 = vector.multi_reduction <add>, %mul3A_76, %reduce_sum3A [1] : vector<2000x128xf32> to vector<2000xf32>
    %broadcast_in_dim3A = vector.shape_cast %reduce_sum3A_77 : vector<2000xf32> to vector<2000x1xf32>
    %get3A_78 = arith.constant 0 : index
    %get3A_79 = arith.constant 0 : index
    %get3A_80 = vector.load %arg13[%get3A_78, %get3A_79] : memref<1x1xf32, #tpu.memory_space<vmem>>, vector<1x1xf32>
    %get3A_81 = vector.extract %get3A_80[0, 0] : f32 from vector<1x1xf32>
    %add3A_82 = vector.broadcast %get3A_81 : f32 to vector<2000x1xf32>
    %add3A_83 = arith.addf %broadcast_in_dim3A, %add3A_82 : vector<2000x1xf32>
    %get3A_84 = arith.constant 0 : index
    %get3A_85 = arith.constant 0 : index
    %get3A_86 = vector.load %arg17[%get3A_84, %get3A_85] : memref<2000x50xf32, #tpu.memory_space<vmem>>, vector<2000x50xf32>
    %mul3A_87 = vector.broadcast %add3A_83 : vector<2000x1xf32> to vector<2000x50xf32>
    %mul3A_88 = arith.mulf %get3A_86, %mul3A_87 : vector<2000x50xf32>
    %get3A_89 = arith.constant 0 : index
    %get3A_90 = arith.constant 0 : index
    %get3A_91 = vector.load %arg15[%get3A_89, %get3A_90] : memref<40x2000xf32, #tpu.memory_space<vmem>>, vector<40x2000xf32>
    %dot_general3A_92 = arith.constant dense<0.000000e+00> : vector<40x50xf32>
    %dot_general3A_93 = tpu.matmul %get3A_91, %mul3A_88, %dot_general3A_92 {dimension_numbers = #tpu.dot_dimension_numbers<[1], [0], [0], [1], [0, 0, 1, 1], [], []>, transpose_lhs_hint = false} : vector<40x2000xf32>, vector<2000x50xf32>, vector<40x50xf32> -> vector<40x50xf32>
    %neg3A = arith.constant 0.000000e+00 : f32
    %neg3A_94 = vector.broadcast %neg3A : f32 to vector<40x50xf32>
    %neg3A_95 = arith.subf %neg3A_94, %dot_general3A_93 : vector<40x50xf32>
    %exp3A = math.exp %neg3A_95 : vector<40x50xf32>
    %add3A_96 = arith.constant 1.000000e+00 : f32
    %add3A_97 = vector.broadcast %add3A_96 : f32 to vector<40x50xf32>
    %add3A_98 = arith.addf %add3A_97, %exp3A : vector<40x50xf32>
    %div3A = arith.constant 1.000000e+00 : f32
    %div3A_99 = vector.broadcast %div3A : f32 to vector<40x50xf32>
    %div3A_100 = arith.divf %div3A_99, %add3A_98 : vector<40x50xf32>
    %swap3A = arith.constant 0 : index
    %swap3A_101 = arith.constant 0 : index
    %swap3A_102 = vector.load %arg14[%swap3A, %swap3A_101] : memref<40x50xf32, #tpu.memory_space<vmem>>, vector<40x50xf32>
    tpu.vector_store %arg14[%swap3A, %swap3A_101], %div3A_100 {strides = array<i32>} : memref<40x50xf32, #tpu.memory_space<vmem>>, vector<40x50xf32>,
    return
  }
  func.func @transform_0(%arg0: i32) -> (i32, i32) {
    %c0_i32 = arith.constant 0 : i32
    %c0_i32_0 = arith.constant 0 : i32
    return %arg0, %c0_i32 : i32, i32
  }
  func.func @transform_1(%arg0: i32) -> (i32, i32) {
    %c0_i32 = arith.constant 0 : i32
    %c0_i32_0 = arith.constant 0 : i32
    return %arg0, %c0_i32 : i32, i32
  }
  func.func @transform_2(%arg0: i32) -> (i32, i32) {
    %c0_i32 = arith.constant 0 : i32
    %c0_i32_0 = arith.constant 0 : i32
    %c0_i32_1 = arith.constant 0 : i32
    return %c0_i32, %c0_i32_0 : i32, i32
  }
  func.func @transform_3(%arg0: i32) -> (i32, i32) {
    %c0_i32 = arith.constant 0 : i32
    %c0_i32_0 = arith.constant 0 : i32
    %c0_i32_1 = arith.constant 0 : i32
    return %c0_i32, %c0_i32_0 : i32, i32
  }
  func.func @transform_4(%arg0: i32) -> (i32, i32) {
    %c0_i32 = arith.constant 0 : i32
    %c0_i32_0 = arith.constant 0 : i32
    %c0_i32_1 = arith.constant 0 : i32
    return %c0_i32, %c0_i32_0 : i32, i32
  }
  func.func @transform_5(%arg0: i32) -> (i32, i32) {
    %c0_i32 = arith.constant 0 : i32
    %c0_i32_0 = arith.constant 0 : i32
    %c0_i32_1 = arith.constant 0 : i32
    return %c0_i32, %c0_i32_0 : i32, i32
  }
  func.func @transform_6(%arg0: i32) -> (i32, i32) {
    %c0_i32 = arith.constant 0 : i32
    %c0_i32_0 = arith.constant 0 : i32
    %c0_i32_1 = arith.constant 0 : i32
    return %c0_i32, %c0_i32_0 : i32, i32
  }
  func.func @transform_7(%arg0: i32) -> (i32, i32) {
    %c1_i32 = arith.constant 1 : i32
    %c0_i32 = arith.constant 0 : i32
    %c0_i32_0 = arith.constant 0 : i32
    return %c1_i32, %c0_i32 : i32, i32
  }
  func.func @transform_8(%arg0: i32) -> (i32, i32) {
    %c2_i32 = arith.constant 2 : i32
    %c0_i32 = arith.constant 0 : i32
    %c0_i32_0 = arith.constant 0 : i32
    return %c2_i32, %c0_i32 : i32, i32
  }
  func.func @transform_9(%arg0: i32) -> (i32, i32) {
    %c0_i32 = arith.constant 0 : i32
    %c0_i32_0 = arith.constant 0 : i32
    %c0_i32_1 = arith.constant 0 : i32
    return %c0_i32, %c0_i32_0 : i32, i32
  }
  func.func @transform_10(%arg0: i32) -> (i32, i32) {
    %c0_i32 = arith.constant 0 : i32
    %c0_i32_0 = arith.constant 0 : i32
    %c0_i32_1 = arith.constant 0 : i32
    return %c0_i32, %c0_i32_0 : i32, i32
  }
  func.func @transform_11(%arg0: i32) -> (i32, i32) {
    %c0_i32 = arith.constant 0 : i32
    %c0_i32_0 = arith.constant 0 : i32
    %c0_i32_1 = arith.constant 0 : i32
    return %c0_i32, %c0_i32_0 : i32, i32
  }
  func.func @transform_12(%arg0: i32) -> (i32, i32) {
    %c0_i32 = arith.constant 0 : i32
    %c0_i32_0 = arith.constant 0 : i32
    %c0_i32_1 = arith.constant 0 : i32
    return %c0_i32, %c0_i32_0 : i32, i32
  }
  func.func @transform_13(%arg0: i32) -> (i32, i32) {
    %c0_i32 = arith.constant 0 : i32
    %c0_i32_0 = arith.constant 0 : i32
    return %arg0, %c0_i32 : i32, i32
  }
}

</mosaic_0001>

<sc_bundles>
// kernel: kernel.5.cloned.1.call-start
scs
__scs_entry_jumppad:
0x0: {  	(pc) =	sbr.rel $0x88, $3  }
0x1: {  	(tag) =	ssettag $0x0;
	lr =	simm.s32 $0x1  }
0x2: {  	[smem:$0x3F8E] =	sst lr;
	_ =	strace $0xD0000000  }
0x3: {  	_ = 	snop  }
0x4: {  	_ = 	snop  }
0x5: {  	_ = 	snop  }
0x6: {  	_ = 	snop  }
0x7: {  	_ = 	snop  }
__scs_overlays_trampoline_lowered:
0x8: {  	[smem:$0x3F9D] =	sst s0  }
0x9: {  	[smem:$0x3F9E] =	sst s1  }
0xa: {  	[smem:$0x3F9F] =	sst s2  }
0xb: {  	[smem:$0x3FA0] =	sst s3  }
0xc: {  	[smem:$0x3FA1] =	sst s4  }
0xd: {  	[smem:$0x3FA2] =	sst s5  }
0xe: {  	[smem:$0x3FA3] =	sst s6  }
0xf: {  	[smem:$0x3FA4] =	sst s7  }
0x10: {  	[smem:$0x3FA5] =	sst s8  }
0x11: {  	[smem:$0x3FA6] =	sst s9;
	s0 =	simm.s32 @!p0 $0x0  }
0x12: {  	s1 =	sld [smem:$0x3F8C];
	s0 =	simm.s32 @p0 $0x1  }
0x13: {  	[smem:$0x3FA7] =	sst s0;
	s0 =	simm.s32 @!p1 $0x0  }
0x14: {  	s2 =	sld [smem:$0x3F8B];
	s0 =	simm.s32 @p1 $0x1  }
0x15: {  	[smem:$0x3FA8] =	sst s0;
	s0 =	simm.s32 @!p2 $0x0  }
0x16: {  	s3 =	sld [smem:$0x3FDB];
	s0 =	simm.s32 @p2 $0x1  }
0x17: {  	s4 =	simm.s32 $0x1BF5;
	[smem:$0x3FAA] =	sst s0  }
0x18: {  	s0 =	sld [smem:$0x3F8D];
	_ =	swait.ge [sflag:s4], $0x0  }
0x19: {  	s7 =	sld [smem:$0x3F8E]  }
0x1a: {  	s8 =	sadd.s32 $0xFFFFE003, lr  }
0x1b: {  	s9 =	sadd.s32 $0xFFFFFEF7, lr;
	s5 =	simm.s32 $0xFFFFFFFF;
	p2 =	slt.u32 s8, $0xFFFFF086  }
0x1c: {  	p1 =	slt.u32 s9, $0xF7A;
	s5 =	simm.s32 @!p2 $0x0  }
0x1d: {  	s5 =	simm.s32 @p1 $0x1;
	p0 =	seq.s32 s7, s2  }
0x1e: {  	s7 =	smul.u32 @!p0 $0xF7A, s2;
	p2 =	seq.s32 @!p0 s5, $0x0  }
0x1f: {  	s9 =	smul.u32 $0xF7A, s1;
	s8 =	simm.s32 @!p0 $0x1BF5;
	p2 =	por !p2, p0  }
0x20: {  	[sflag:s8] =	ssyncset.s32 @!p0 $0xFFFFF086;
	s6 =	sadd.s32 @!p0 s3, s7;
	s7 =	simm.s32 @!p0 $0x108  }
0x21: {  	s3 =	sadd.s32 s3, s9;
	s6 =	sadd.s32 @!p0 $0x88, s6;
	s7 =	simm.s32 @p2 $0x1082  }
0x22: {  	[simem:s7], [sflag:s8] =	dma.local @!p0 [hbm:s6], $0xF7A  }
0x23: {  	s9 =	sor.u32 $0xD0000000, s2;
	s6 =	simm.s32 $0x108;
	_ =	swait.ge @!p0 [sflag:s8], $0x0  }
0x24: {  	s3 =	sadd.s32 $0x88, s3;
	s6 =	simm.s32 @!p1 $0x1082;
	[sflag:s4] =	ssyncset.s32 $0xFFFFF086  }
0x25: {  	[simem:s6], [sflag:s4] =	dma.local [hbm:s3], $0xF7A  }
0x26: {  	[smem:$0x3F8E] =	sst s1;
	(tag) =	ssettag s2;
	_ =	strace s9  }
0x27: {  	s1 =	sld [smem:$0x3F9E]  }
0x28: {  	s2 =	sld [smem:$0x3F9F]  }
0x29: {  	s4 =	sld [smem:$0x3FA1]  }
0x2a: {  	p0 =	seq.s32 s5, $0x0;
	s5 =	sld [smem:$0x3FA2]  }
0x2b: {  	s6 =	sld [smem:$0x3FA3]  }
0x2c: {  	s7 =	sld [smem:$0x3FA4]  }
0x2d: {  	s3 =	simm.s32 $0x108;
	s8 =	sld [smem:$0x3FA5]  }
0x2e: {  	s3 =	simm.s32 @!p0 $0x1082;
	s9 =	sld [smem:$0x3FA6]  }
0x2f: {  	lr =	sadd.s32 s0, s3;
	s0 =	sld [smem:$0x3F9D]  }
0x30: {  	s3 =	sld [smem:$0x3FA0]  }
0x31: {  	[smem:$0x3FA9] =	sst s10  }
0x32: {  	s10 =	sld [smem:$0x3FA7];
	_ =	sdelay $0x3  }
0x33: {  	p0 =	seq.s32 s10, $0x1;
	s10 =	sld [smem:$0x3FA9];
	_ =	sdelay $0x3  }
0x34: {  	[smem:$0x3FA9] =	sst s10  }
0x35: {  	s10 =	sld [smem:$0x3FA8];
	_ =	sdelay $0x3  }
0x36: {  	p1 =	seq.s32 s10, $0x1;
	s10 =	sld [smem:$0x3FA9];
	_ =	sdelay $0x3  }
0x37: {  	[smem:$0x3FA9] =	sst s10  }
0x38: {  	s10 =	sld [smem:$0x3FAA]  }
0x39: {  	_ = 	snop;
	(pc) =	sbr.ind lr, $3  }
0x3a: {  	_ = 	snop  }
0x3b: {  	_ = 	snop  }
0x3c: {  	p2 =	seq.s32 s10, $0x1;
	s10 =	sld [smem:$0x3FA9]  }
0x3d: {  	_ =	shalt  }
0x3e: {  	_ =	shalt  }
0x3f: {  	_ =	shalt  }
0x40: {  	_ =	shalt  }
0x41: {  	_ =	shalt  }
0x42: {  	_ =	shalt  }
0x43: {  	_ =	shalt  }
0x44: {  	_ =	shalt  }
0x45: {  	_ =	shalt  }
0x46: {  	_ =	shalt  }
0x47: {  	_ =	shalt  }
0x48: {  	_ =	shalt  }
0x49: {  	_ =	shalt  }
0x4a: {  	_ =	shalt  }
0x4b: {  	_ =	shalt  }
0x4c: {  	_ =	shalt  }
0x4d: {  	_ =	shalt  }
0x4e: {  	_ =	shalt  }
0x4f: {  	_ =	shalt  }
0x50: {  	_ =	shalt  }
0x51: {  	_ =	shalt  }
0x52: {  	_ =	shalt  }
0x53: {  	_ =	shalt  }
0x54: {  	_ =	shalt  }
0x55: {  	_ =	shalt  }
0x56: {  	_ =	shalt  }
0x57: {  	_ =	shalt  }
0x58: {  	_ =	shalt  }
0x59: {  	_ =	shalt  }
0x5a: {  	_ =	shalt  }
0x5b: {  	_ =	shalt  }
0x5c: {  	_ =	shalt  }
0x5d: {  	_ =	shalt  }
0x5e: {  	_ =	shalt  }
0x5f: {  	_ =	shalt  }
0x60: {  	_ =	shalt  }
0x61: {  	_ =	shalt  }
0x62: {  	_ =	shalt  }
0x63: {  	_ =	shalt  }
0x64: {  	_ =	shalt  }
0x65: {  	_ =	shalt  }
0x66: {  	_ =	shalt  }
0x67: {  	_ =	shalt  }
0x68: {  	_ =	shalt  }
0x69: {  	_ =	shalt  }
0x6a: {  	_ =	shalt  }
0x6b: {  	_ =	shalt  }
0x6c: {  	_ =	shalt  }
0x6d: {  	_ =	shalt  }
0x6e: {  	_ =	shalt  }
0x6f: {  	_ =	shalt  }
0x70: {  	_ =	shalt  }
0x71: {  	_ =	shalt  }
0x72: {  	_ =	shalt  }
0x73: {  	_ =	shalt  }
0x74: {  	_ =	shalt  }
0x75: {  	_ =	shalt  }
0x76: {  	_ =	shalt  }
0x77: {  	_ =	shalt  }
0x78: {  	_ =	shalt  }
0x79: {  	_ =	shalt  }
0x7a: {  	_ =	shalt  }
0x7b: {  	_ =	shalt  }
0x7c: {  	_ =	shalt  }
0x7d: {  	_ =	shalt  }
0x7e: {  	_ =	shalt  }
0x7f: {  	_ =	shalt  }
0x80: {  	_ =	shalt  }
0x81: {  	_ =	shalt  }
0x82: {  	_ =	shalt  }
0x83: {  	_ =	shalt  }
0x84: {  	_ =	shalt  }
0x85: {  	_ =	shalt  }
0x86: {  	_ =	shalt  }
0x87: {  	_ =	shalt  }
.Lfunc_end0:
.L_simem_size_0:
called_computation_lowered:
.L_overlay_start_0:
0x88: {  	s2 =	sld [smem:$0x3FD9]  }
0x89: {  	s3 =	sld [smem:$0x3FFE];
	_ =	sdelay $0x1  }
0x8a: {  	s1 =	srdreg.scid  }
0x8b: {  	s0 =	sand.u32 $0x1, s1  }
0x8c: {  	s17 =	sshll.u32 s0, $0xA;
	s2 =	sadd.s32 s3, s2  }
0x8d: {  	s2 =	sadd.s32 s2, s17  }
0x8e: {  	[smem:$0x3FB5] =	sst s2  }
0x8f: {  	_ = 	snop  }
0x90: {  	s2 =	sld [smem:$0x3FC7]  }
0x91: {  	s18 =	sld [smem:$0x3FC6]  }
0x92: {  	s4 =	sld [smem:$0x3FD0];
	(tm) =	ssettm $0x1  }
0x93: {  	s5 =	sld [smem:$0x3FFB];
	_ =	sdelay $0x3  }
0x94: {  	_ =	strace s5  }
0x95: {  	s5 =	sld [smem:$0x3FFC];
	_ =	sdelay $0x3  }
0x96: {  	_ =	strace s5  }
0x97: {  	s5 =	sld [smem:$0x3FFD];
	_ =	sdelay $0x3  }
0x98: {  	_ =	strace s5  }
0x99: {  	_ =	strace $0x8FFFFFFF  }
0x9a: {  	s19 =	sld [smem:$0x3FDB];
	_ =	sdelay $0x1  }
0x9b: {  	s6 =	simm.s32 $_scs_section_size  }
0x9c: {  	s7 =	simm.s32 $_size__tile_overlayer_lowered;
	s8 =	simm.s32 $_tile_overlayer_lowered  }
0x9d: {  	s22 =	simm.s32 $0x1BFF;
	s21 =	sshll.u32 s8, $0x1;
	s5 =	sadd.s32 s6, s19  }
0x9e: {  	s9 =	simm.s32 $0x0;
	s20 =	sshll.u32 s7, $0x1;
	s7 =	sadd.s32 s21, s5  }
0x9f: {  	[timem:s9], [sflag:s22] =	dma.local [hbm:s7], s20  }
0xa0: {  	_ =	swait.ge [sflag:s22], s20  }
0xa1: {  	s6 =	ssub.s32 $0x0, s20;
	[sflag:s22] =	ssyncset.done $0x0  }
0xa2: {  	[sflag:s22] =	ssyncadd.s32 s6;
	_ =	sdelay $0x1  }
0xa3: {  	s23 =	simm.s32 $0x1B8B  }
0xa4: {  	_ =	swait.ge [sflag:s23], $0x1  }
0xa5: {  	[sflag:s23] =	ssyncset.done $0x0  }
0xa6: {  	s25 =	simm.s32 $0x1B8E;
	s24 =	sld [smem:$0x3FFE];
	[sflag:s23] =	ssyncadd.s32 $0xFFFFFFFF  }
0xa7: {  	s26 =	simm.s32 $execute0_lowered;
	[smem:$0x3FD2] =	sst s25  }
0xa8: {  	s7 =	sshll.u32 s26, $0x1;
	_ =	strace $0x80000046;
	[dreg:$0x1] =	wrdreg $0xFFFFFFFF  }
0xa9: {  	s28 =	simm.s32 $_size_execute0_lowered;
	s5 =	sadd.s32 s5, s7;
	[dreg:$0x0] =	wrdreg $0x0  }
0xaa: {  	s7 =	sshll.u32 s28, $0x1;
	[dreg:$0x2] =	wrdreg s5  }
0xab: {  	[dreg:$0x3] =	wrdreg s7  }
0xac: {  	[dreg:$0x4] =	wrdreg $0xC0  }
0xad: {  	_ =	task [dreg:s9], $0x5FFFF  }
0xae: {  	[dreg:$0x1] =	wrdreg $0xFFFFFFFF  }
0xaf: {  	[dreg:$0x0] =	wrdreg $0x60  }
0xb0: {  	[dreg:$0x2] =	wrdreg s24  }
0xb1: {  	[dreg:$0x3] =	wrdreg s4  }
0xb2: {  	[dreg:$0x4] =	wrdreg s2  }
0xb3: {  	[dreg:$0x5] =	wrdreg s18  }
0xb4: {  	[dreg:$0x6] =	wrdreg $0x9  }
0xb5: {  	_ =	task.clear_ibuf [dreg:s9], $0x7FFFF;
	_ =	strace $0x90000046  }
0xb6: {  	s29 =	simm.s32 $0x9;
	_ =	strace $0x80000048  }
0xb7: {  	_ =	swait.ge [sflag:s29], $0x1  }
0xb8: {  	[sflag:s29] =	ssyncadd.s32 $0xFFFFFFFF  }
0xb9: {  	_ =	strace $0x90000048  }
0xba: {  	_ =	sfence  }
0xbb: {  	s30 =	sld [smem:$0x0];
	_ =	sdelay $0x2  }
0xbc: {  	s31 =	sshll.u32 s1, $0xD;
	s1 =	sshrl.u32 s1, $0x2  }
0xbd: {  	s3 =	sand.u32 $0x4000, s31;
	s1 =	sadd.s32 s1, s30  }
0xbe: {  	s0 =	sor.u32 s3, s0;
	s1 =	sshll.u32 s1, $0x11  }
0xbf: {  	s0 =	sor.u32 s1, s0  }
0xc0: {  	s0 =	sadd.s32 $0x8F2B, s0  }
0xc1: {  	[sflag:s0] =	ssyncadd.remote.s32 $0x1  }
0xc2: {  	_ =	sfence.sel $0xFFFF  }
0xc3: {  	[dreg:$0x0] =	wrdreg $0xFFFFFFFF;
	(pc) =	sbr.abs _section_cstart, $3  }
0xc4: {  	[dreg:$0x1] =	wrdreg $0xFFFFFFFF  }
0xc5: {  	_ =	task.clear_ibuf [dreg:s9], $0x2FFFF;
	_ =	strace $0x9FFFFFFF  }
0xc6: {  	(tm) =	ssettm $0x7FFFFFFF  }
0xc7: {  	_ =	shalt  }
tec
execute0_lowered:
.L_overlay_start_1:
0x0: {  	(tag) =	ssettag $0x1  }
0x1: {  	s1 =	srdreg.scid;
	s0 =	stileid.u32  }
0x2: {  	s14 =	sand.u32 $0x1, s1;
	s6 =	sshll.u32 s0, $0x1  }
0x3: {  	s15 =	sor.u32 s14, s6  }
0x4: {  	s13 =	rddreg [dreg:$0x0];
	p0 =	sgt.u32 s15, $0x18  }
.Ltmp0:
0x5: {  	s2 =	rddreg [dreg:$0x1];
	(pc) =	sbr.rel @p0 .LBB2_4-.Ltmp0, $4  }
0x6: {  	s4 =	rddreg [dreg:$0x2]  }
0x7: {  	s5 =	rddreg [dreg:$0x3];
	s3 =	simm.s32 $0x0  }
0x8: {  	[smem:$0x7FF] =	sst s3  }
0x9: {  	s1 =	rddreg [dreg:$0x4];
	_ =	strace $0x80000047  }
0xa: {  	s6 =	smul.u32 $0xA, s15;
	_ =	sdelay $0x1  }
0xb: {  	s4 =	sadd.s32 s4, s6  }
0xc: {  	[tilespmem:s3], [sflag:$0x3] =	stream.linear.gather [hbm4b:s4+s3], $0x50, $0x38;
	[tilespmem:$0x2900] =	vst v63  }
0xd: {  	s7 =	simm.s32 $0x80;
	s5 =	sadd.s32 s5, s6;
	s6 =	simm.s32 $0x3  }
0xe: {  	[tilespmem:s7], [sflag:$0x2] =	stream.linear.gather [hbm4b:s5+s3], $0x50, $0x38;
	[tilespmem:$0x2900] =	vst v63  }
0xf: {  	_ =	swait.ge [sflag:s6], $0x50  }
0x10: {  	s8 =	sadd.s32 $0x2600, s13;
	s9 =	simm.s32 $0x50;
	[sflag:s6] =	ssyncset.done $0x0  }
0x11: {  	s10 =	simm.s32 $0x100;
	s11 =	simm.s32 $0x2;
	[sflag:s6] =	ssyncadd.s32 $0xFFFFFFB0  }
0x12: {  	[tilespmem:s10], [sflag:$0x1] =	stream.indirect.gather [hbm4b:s8+s9], $0x80, s3, s9, $0xb8;
	[tilespmem:$0x2900] =	vst v63  }
0x13: {  	_ =	swait.ge [sflag:s11], $0x50  }
0x14: {  	[sflag:s11] =	ssyncset.done $0x0  }
0x15: {  	s12 =	simm.s32 $0x1;
	s14 =	ssub.s32 $0x2, s14;
	[sflag:s11] =	ssyncadd.s32 $0xFFFFFFB0  }
0x16: {  	s16 =	sshrl.u32 s14, $0x1;
	_ =	swait.ge [sflag:s12], $0x2800  }
0x17: {  	s14 =	ssub.s32 s14, s16;
	[sflag:s12] =	ssyncset.done $0x0  }
0x18: {  	s30 =	smul.u32 $0x500, s15;
	s14 =	smax.u32 s14, $0x1;
	[sflag:s12] =	ssyncadd.s32 $0xFFFFD800  }
0x19: {  	[tilespmem:s10], [sflag:$0x2] =	stream.indirect.gather.add.f32 [hbm:s2], $0x80, s7, s9, $0xb8;
	[tilespmem:$0x2900] =	vst v63  }
0x1a: {  	p0 =	sne.s32 s14, $0x1;
	_ =	swait.ge [sflag:s11], $0x2800  }
.Ltmp1:
0x1b: {  	s31 =	sadd.s32 s30, s13;
	[sflag:s11] =	ssyncset.done $0x0;
	(pc) =	sbr.rel @!p0 .LBB2_3-.Ltmp1, $4  }
0x1c: {  	s13 =	sadd.s32 $0xA400, s31;
	[sflag:s11] =	ssyncadd.s32 $0xFFFFD800  }
0x1d: {  	[hbm4b:s13+s3] =	stream.linear.scatter [tilespmem:s10], [sflag:$0x3], $0x2800, $0x38;
	[tilespmem:$0x2900] =	vst v63  }
0x1e: {  	_ =	swait.ge [sflag:s6], $0x2800  }
0x1f: {  	s14 =	sadd.s32 $0xFFFFFFFF, s14;
	[sflag:s6] =	ssyncset.done $0x0  }
.LBB2_2:
0x20: {  	p0 =	sne.s32 s14, $0x1;
	s14 =	sadd.s32 $0xFFFFFFFF, s14;
	[sflag:s6] =	ssyncadd.s32 $0xFFFFD800  }
0x21: {  	[tilespmem:s3], [sflag:$0x3] =	stream.linear.gather [hbm4b:s4+s3], $0x50, $0x38;
	[tilespmem:$0x2900] =	vst v63  }
0x22: {  	_ = 	snop  }
0x23: {  	[tilespmem:s7], [sflag:$0x2] =	stream.linear.gather [hbm4b:s5+s3], $0x50, $0x38;
	[tilespmem:$0x2900] =	vst v63  }
0x24: {  	_ =	swait.ge [sflag:s6], $0x50  }
0x25: {  	[sflag:s6] =	ssyncset.done $0x0  }
0x26: {  	[sflag:s6] =	ssyncadd.s32 $0xFFFFFFB0  }
0x27: {  	[tilespmem:s10], [sflag:$0x1] =	stream.indirect.gather [hbm4b:s8+s9], $0x80, s3, s9, $0xb8;
	[tilespmem:$0x2900] =	vst v63  }
0x28: {  	_ =	swait.ge [sflag:s11], $0x50  }
0x29: {  	[sflag:s11] =	ssyncset.done $0x0  }
0x2a: {  	[sflag:s11] =	ssyncadd.s32 $0xFFFFFFB0  }
0x2b: {  	_ =	swait.ge [sflag:s12], $0x2800  }
0x2c: {  	[sflag:s12] =	ssyncset.done $0x0  }
0x2d: {  	[sflag:s12] =	ssyncadd.s32 $0xFFFFD800  }
0x2e: {  	[tilespmem:s10], [sflag:$0x2] =	stream.indirect.gather.add.f32 [hbm:s2], $0x80, s7, s9, $0xb8;
	[tilespmem:$0x2900] =	vst v63  }
0x2f: {  	_ =	swait.ge [sflag:s11], $0x2800  }
.Ltmp2:
0x30: {  	[sflag:s11] =	ssyncset.done $0x0;
	(pc) =	sbr.rel @p0 .LBB2_2-.Ltmp2, $4  }
0x31: {  	[sflag:s11] =	ssyncadd.s32 $0xFFFFD800  }
0x32: {  	[hbm4b:s13+s3] =	stream.linear.scatter [tilespmem:s10], [sflag:$0x3], $0x2800, $0x38;
	[tilespmem:$0x2900] =	vst v63  }
0x33: {  	_ =	swait.ge [sflag:s6], $0x2800  }
0x34: {  	[sflag:s6] =	ssyncset.done $0x0  }
.LBB2_3:
0x35: {  	[sflag:s6] =	ssyncadd.s32 $0xFFFFD800  }
.LBB2_4:
0x36: {  	_ =	sfence.sel $0x180000  }
0x37: {  	[bflag:$0x0] =	sbarrier.arrive $0xFFFF  }
0x38: {  	p0 =	sne.s32 s0, $0x0;
	_ =	strace $0x90000047  }
0x39: {  	s0 =	sadd.s32 @!p0 $0x100000, s1;
	[bflag:$0x2] =	sbarrier.arrive $0xFFFF  }
0x3a: {  	[sflag:s0] =	ssyncadd.tile.s32 @!p0 $0x1;
	_ =	shalt  }
.Lfunc_end2:
_tile_overlayer_lowered:
.L_overlay_start_2:
0x3b: {  	(tag) =	ssettag $0x2  }
0x3c: {  	s0 =	rddreg [dreg:$0x0];
	s2 =	stileid.u32  }
0x3d: {  	s1 =	rddreg [dreg:$0x1];
	p0 =	sne.s32 s2, $0x0  }
0x3e: {  	s3 =	rddreg [dreg:$0x2];
	[bflag:$0x3] =	sbarrier.arrive $0xFFFF;
	s2 =	simm.s32 @!p0 $0x1C04  }
0x3f: {  	[timem:s3], [sflag:s2] =	dma.local @!p0 [hbm:s0], s1  }
0x40: {  	s0 =	simm.s32 @!p0 $0x4  }
0x41: {  	_ =	swait.ge @!p0 [sflag:s0], s1  }
0x42: {  	s1 =	ssub.s32 @!p0 $0x0, s1;
	[sflag:s0] =	ssyncset.done @!p0 $0x0  }
0x43: {  	[sflag:s0] =	ssyncadd.s32 @!p0 s1  }
0x44: {  	[bflag:$0x3] =	sbarrier.arrive $0xFFFF  }
0x45: {  	_ =	shalt  }

</sc_bundles>
